<compile_context>
chip_gen: v7x
topology: tpu7x:2x2x1
jax: 0.10.2.dev20260603
libtpu: 0.0.44.dev20260713+nightly
codegen_flags: <defaults>
</compile_context>

<pallas_src>
import functools

import jax
import jax.numpy as jnp
from jax import lax
from jax.experimental import pallas as pl
from jax.experimental.pallas import tpu as pltpu
from jax.experimental.pallas import tpu_sc as plsc

_B, _C, _H, _W = 8, 3, 384, 384
_P = 16
_HP = _H // _P
_WP = _W // _P
_NP = _HP * _WP
_DP = _C * _P * _P
_DM = 2048
_VOCAB = 32000



def _sc_gather_body(table_hbm, idx_hbm, out_hbm, idx_v, row_v, sem):
    cid = lax.axis_index("c")
    sid = lax.axis_index("s")
    wid = sid * 2 + cid

    @pl.when(wid == 0)
    def _():
        pltpu.sync_copy(idx_hbm, idx_v)
        pltpu.async_copy(table_hbm.at[idx_v], row_v, sem).wait()
        pltpu.sync_copy(row_v, out_hbm)


def _sc_gather(embed_table, end_token_ids):
    mesh = plsc.VectorSubcoreMesh(core_axis_name="c", subcore_axis_name="s")
    k = functools.partial(
        pl.kernel,
        mesh=mesh,
        out_type=jax.ShapeDtypeStruct((1, _DM), jnp.float32),
        scratch_types=[
            pltpu.VMEM((1,), jnp.int32),
            pltpu.VMEM((1, _DM), jnp.float32),
            pltpu.SemaphoreType.DMA,
        ],
    )(_sc_gather_body)
    return k(embed_table, end_token_ids)



def _tc_body(img_ref, w_ref, end_ref, out_ref, wbf_ref):
    i = pl.program_id(0)

    @pl.when(i == 0)
    def _():
        wbf_ref[...] = w_ref[...].astype(jnp.bfloat16)

    @pl.when(i < _HP)
    def _():
        x = img_ref[...].astype(jnp.bfloat16)
        x = x.reshape(_B, _C, _P, _WP, _P)
        x = x.transpose(3, 0, 1, 2, 4)
        a = x.reshape(_WP * _B, _DP)
        f = jnp.dot(a, wbf_ref[...], preferred_element_type=jnp.float32)
        out_ref[...] = f.reshape(_WP, _B, _DM)

    @pl.when(i == _HP)
    def _():
        out_ref[...] = jnp.broadcast_to(end_ref[...][None], (_WP, _B, _DM))


def kernel(images, patch_proj, embed_table, end_token_ids):
    end_row = _sc_gather(embed_table, end_token_ids)
    out = pl.pallas_call(
        _tc_body,
        grid=(_HP + 1,),
        in_specs=[
            pl.BlockSpec((_B, _C, _P, _W), lambda i: (0, 0, jnp.minimum(i, _HP - 1), 0)),
            pl.BlockSpec((_DP, _DM), lambda i: (0, 0)),
            pl.BlockSpec((1, _DM), lambda i: (0, 0)),
        ],
        out_specs=pl.BlockSpec((_WP, _B, _DM), lambda i: (i, 0, 0)),
        out_shape=jax.ShapeDtypeStruct((_NP + 1, _B, _DM), jnp.float32),
        scratch_shapes=[pltpu.VMEM((_DP, _DM), jnp.bfloat16)],
    )(images, patch_proj, end_row)
    return out.transpose(1, 0, 2)

# --- scband reference (transcript-rebuilt; emitter-appended) ---
"""Pipeline reference for scband-basic-image-encoder-34248069218691 (READ-ONLY COPY).

The authoritative reference and input builder live on the scoring server;
editing this copy changes nothing except your own understanding.
"""

import jax, jax.numpy as jnp
import numpy as np

B, C, H, W_IMG = 8, 3, 384, 384
P = 16
NP = (H // P) * (W_IMG // P)  # 576 patches per image
D_PATCH = C * P * P           # 768
D_MODEL = 2048
VOCAB = 32000


def setup_inputs(seed: int = 0) -> dict:
    key = jax.random.key(seed)
    k1, k2, k3, k4 = jax.random.split(key, 4)
    images = jax.random.normal(k1, (B, C, H, W_IMG), dtype=jnp.float32)
    # parent.encode_images modeled as a patchify + linear projection into the LLM embedding space
    patch_proj = jax.random.normal(k2, (D_PATCH, D_MODEL), dtype=jnp.float32) * 0.02
    # parent.llm_model_embed_tokens: the LLM input embedding table (the embedding_lookup op)
    embed_table = jax.random.normal(k3, (VOCAB, D_MODEL), dtype=jnp.float32) * 0.02
    # token ids produced by parent.tokenizer(end_tokens='\n') -> a single token id
    end_token_ids = jax.random.randint(k4, (1,), 0, VOCAB, dtype=jnp.int32)
    return {
        "images": images,
        "patch_proj": patch_proj,
        "embed_table": embed_table,
        "end_token_ids": end_token_ids,
    }


def _patchify(images):
    b = images.shape[0]
    x = images.reshape(b, C, H // P, P, W_IMG // P, P)
    x = x.transpose(0, 2, 4, 1, 3, 5).reshape(b, NP, D_PATCH)
    return x


def reference(images, patch_proj, embed_table, end_token_ids):
    # encode_images: patchify + linear projection -> per-image feature sequences
    feats = _patchify(images) @ patch_proj  # [B, NP, D_MODEL]
    # embed_tokens(end_tokens): embedding lookup into the LLM table (SparseCore gather)
    end_embeds = jnp.take(embed_table, end_token_ids, axis=0)  # [n_end, D_MODEL]
    # _process_features: concat end-token embeds after each image's features
    # (start_tokens is None, so no prefix concat)
    n_end = end_embeds.shape[0]
    end_b = jnp.broadcast_to(end_embeds[None, :, :], (feats.shape[0], n_end, D_MODEL))
    out = jnp.concatenate([feats, end_b], axis=1)  # [B, NP + n_end, D_MODEL]
    return out

if __name__ == "__main__":
    import jax
    _d = setup_inputs()
    print(jax.jit(kernel)(*tuple(_d.values())))

</pallas_src>

<mosaic_0001>
#map = affine_map<(d0, d1) -> (0, 0)>
#map1 = affine_map<(d0, d1) -> (0)>
module attributes {stable_mosaic.version = 14 : i64} {
  func.func @_sc_gather_body(%arg0: i32, %arg1: i32, %arg2: memref<32000x2048xf32, #tpu.memory_space<hbm>>, %arg3: memref<1xi32, #tpu.memory_space<hbm>>, %arg4: memref<1x2048xf32, #tpu.memory_space<hbm>>, %arg5: memref<1xi32, #tpu.memory_space<vmem>>, %arg6: memref<1x2048xf32, #tpu.memory_space<vmem>>, %arg7: memref<!tpu.dma_semaphore, #tpu.memory_space<semaphore_mem>>) attributes {dimension_semantics = [#tpu.dimension_semantics<core_parallel>, #tpu.dimension_semantics<subcore_parallel>], iteration_bounds = array<i64: 2, 16>, scalar_prefetch = 0 : i64, scratch_operands = 3 : i64, tpu.core_type = #tpu.core_type<sc_vector_subcore>, window_params = [{transform_indices = #map}, {transform_indices = #map1}, {transform_indices = #map}]} {
    %mul3A = arith.constant 2 : i32
    %mul3A_0 = arith.muli %arg1, %mul3A : i32
    %add3A = arith.addi %mul3A_0, %arg0 : i32
    %eq3A = arith.constant 0 : i32
    %eq3A_1 = arith.cmpi eq, %add3A, %eq3A : i32
    %convert_element_type3A = arith.extui %eq3A_1 : i1 to i32
    %cond3A = arith.constant 0 : i32
    %cond3A_2 = arith.cmpi ne, %convert_element_type3A, %cond3A : i32
    scf.if %cond3A_2 {
      "tpu.region"() ({
        %run_scoped3A = tpu.sem_alloc : memref<!tpu.dma_semaphore, #tpu.memory_space<semaphore_mem>>
        tpu.enqueue_dma source(%arg3 : memref<1xi32, #tpu.memory_space<hbm>>) target(%arg5 : memref<1xi32, #tpu.memory_space<vmem>>) target_semaphore(%run_scoped3A : memref<!tpu.dma_semaphore, #tpu.memory_space<semaphore_mem>>)
        tpu.wait_dma2 semaphore(%run_scoped3A : memref<!tpu.dma_semaphore, #tpu.memory_space<semaphore_mem>>) src(%arg3 : memref<1xi32, #tpu.memory_space<hbm>>) dst(%arg5 : memref<1xi32, #tpu.memory_space<vmem>>)
        tpu.yield
      }) : () -> ()
      %dma_start3A = arith.constant 0 : i32
      %dma_start3A_3 = arith.constant 0 : i32
      %dma_start3A_4 = tpu.memref_slice %arg2[%dma_start3A, %dma_start3A_3] : memref<32000x2048xf32, #tpu.memory_space<hbm>> -> memref<32000x2048xf32, #tpu.memory_space<hbm>>
      tpu.enqueue_indirect_dma source(%dma_start3A_4 : memref<32000x2048xf32, #tpu.memory_space<hbm>>) target(%arg6 : memref<1x2048xf32, #tpu.memory_space<vmem>>) offsets(%arg5 : memref<1xi32, #tpu.memory_space<vmem>>) semaphore(%arg7 : memref<!tpu.dma_semaphore, #tpu.memory_space<semaphore_mem>>)
      %dma_wait3A = arith.constant 0 : i32
      %dma_wait3A_5 = arith.constant 0 : i32
      %dma_wait3A_6 = tpu.memref_slice %arg2[%dma_wait3A, %dma_wait3A_5] : memref<32000x2048xf32, #tpu.memory_space<hbm>> -> memref<32000x2048xf32, #tpu.memory_space<hbm>>
      tpu.wait_indirect_dma semaphore(%arg7 : memref<!tpu.dma_semaphore, #tpu.memory_space<semaphore_mem>>) src(%dma_wait3A_6 : memref<32000x2048xf32, #tpu.memory_space<hbm>>) dst(%arg6 : memref<1x2048xf32, #tpu.memory_space<vmem>>)
      "tpu.region"() ({
        %run_scoped3A = tpu.sem_alloc : memref<!tpu.dma_semaphore, #tpu.memory_space<semaphore_mem>>
        tpu.enqueue_dma source(%arg6 : memref<1x2048xf32, #tpu.memory_space<vmem>>) target(%arg4 : memref<1x2048xf32, #tpu.memory_space<hbm>>) target_semaphore(%run_scoped3A : memref<!tpu.dma_semaphore, #tpu.memory_space<semaphore_mem>>)
        tpu.wait_dma2 semaphore(%run_scoped3A : memref<!tpu.dma_semaphore, #tpu.memory_space<semaphore_mem>>) src(%arg6 : memref<1x2048xf32, #tpu.memory_space<vmem>>) dst(%arg4 : memref<1x2048xf32, #tpu.memory_space<hbm>>)
        tpu.yield
      }) : () -> ()
    } else {
    }
    return
  }
}

module attributes {stable_mosaic.version = 14 : i64} {
  func.func @_tc_body(%arg0: i32, %arg1: memref<8x3x16x384xf32, #tpu.memory_space<vmem>>, %arg2: memref<768x2048xf32, #tpu.memory_space<vmem>>, %arg3: memref<1x2048xf32, #tpu.memory_space<vmem>>, %arg4: memref<24x8x2048xf32, #tpu.memory_space<vmem>>, %arg5: memref<768x2048xbf16, #tpu.memory_space<vmem>>) attributes {dimension_semantics = [#tpu.dimension_semantics<arbitrary>], iteration_bounds = array<i64: 25>, scalar_prefetch = 0 : i64, scratch_operands = 1 : i64, tpu.core_type = #tpu.core_type<tc>, window_params = [{transform_indices = @transform_0, window_bounds = array<i64: 8, 3, 16, 384>}, {pipeline_mode = #tpu.pipeline_mode<synchronous>, transform_indices = @transform_1, window_bounds = array<i64: 768, 2048>}, {pipeline_mode = #tpu.pipeline_mode<synchronous>, transform_indices = @transform_2, window_bounds = array<i64: 1, 2048>}, {transform_indices = @transform_3, window_bounds = array<i64: 24, 8, 2048>}]} {
    %eq3A = arith.constant 0 : i32
    %eq3A_0 = arith.cmpi eq, %arg0, %eq3A : i32
    %convert_element_type3A = arith.extui %eq3A_0 : i1 to i32
    %cond3A = arith.constant 0 : i32
    %cond3A_1 = arith.cmpi ne, %convert_element_type3A, %cond3A : i32
    scf.if %cond3A_1 {
      %get3A = arith.constant 0 : index
      %get3A_11 = arith.constant 0 : index
      %get3A_12 = vector.load %arg2[%get3A, %get3A_11] : memref<768x2048xf32, #tpu.memory_space<vmem>>, vector<768x2048xf32>
      %convert_element_type3A_13 = arith.truncf %get3A_12 : vector<768x2048xf32> to vector<768x2048xbf16>
      %swap3A = arith.constant 0 : index
      %swap3A_14 = arith.constant 0 : index
      %swap3A_15 = vector.load %arg5[%swap3A, %swap3A_14] : memref<768x2048xbf16, #tpu.memory_space<vmem>>, vector<768x2048xbf16>
      tpu.vector_store %arg5[%swap3A, %swap3A_14], %convert_element_type3A_13 {strides = array<i32>} : memref<768x2048xbf16, #tpu.memory_space<vmem>>, vector<768x2048xbf16>,
    } else {
    }
    %lt3A = arith.constant 24 : i32
    %lt3A_2 = arith.cmpi slt, %arg0, %lt3A : i32
    %convert_element_type3A_3 = arith.extui %lt3A_2 : i1 to i32
    %cond3A_4 = arith.constant 0 : i32
    %cond3A_5 = arith.cmpi ne, %convert_element_type3A_3, %cond3A_4 : i32
    scf.if %cond3A_5 {
      %get3A = arith.constant 0 : index
      %get3A_11 = arith.constant 0 : index
      %get3A_12 = arith.constant 0 : index
      %get3A_13 = arith.constant 0 : index
      %get3A_14 = vector.load %arg1[%get3A, %get3A_11, %get3A_12, %get3A_13] : memref<8x3x16x384xf32, #tpu.memory_space<vmem>>, vector<8x3x16x384xf32>
      %convert_element_type3A_15 = arith.truncf %get3A_14 : vector<8x3x16x384xf32> to vector<8x3x16x384xbf16>
      %reshape3A = vector.shape_cast %convert_element_type3A_15 : vector<8x3x16x384xbf16> to vector<8x3x16x24x16xbf16>
      %transpose3A = tpu.transpose %reshape3A, [3, 0, 1, 2, 4] : vector<8x3x16x24x16xbf16> -> vector<24x8x3x16x16xbf16>
      %reshape3A_16 = vector.shape_cast %transpose3A : vector<24x8x3x16x16xbf16> to vector<192x768xbf16>
      %get3A_17 = arith.constant 0 : index
      %get3A_18 = arith.constant 0 : index
      %get3A_19 = vector.load %arg5[%get3A_17, %get3A_18] : memref<768x2048xbf16, #tpu.memory_space<vmem>>, vector<768x2048xbf16>
      %dot_general3A = arith.constant dense<0.000000e+00> : vector<192x2048xf32>
      %dot_general3A_20 = tpu.matmul %reshape3A_16, %get3A_19, %dot_general3A {dimension_numbers = #tpu.dot_dimension_numbers<[1], [0], [0], [1], [0, 0, 1, 1], [], []>, transpose_lhs_hint = false} : vector<192x768xbf16>, vector<768x2048xbf16>, vector<192x2048xf32> -> vector<192x2048xf32>
      %reshape3A_21 = vector.shape_cast %dot_general3A_20 : vector<192x2048xf32> to vector<24x8x2048xf32>
      %swap3A = arith.constant 0 : index
      %swap3A_22 = arith.constant 0 : index
      %swap3A_23 = arith.constant 0 : index
      %swap3A_24 = vector.load %arg4[%swap3A, %swap3A_22, %swap3A_23] : memref<24x8x2048xf32, #tpu.memory_space<vmem>>, vector<24x8x2048xf32>
      tpu.vector_store %arg4[%swap3A, %swap3A_22, %swap3A_23], %reshape3A_21 {strides = array<i32>} : memref<24x8x2048xf32, #tpu.memory_space<vmem>>, vector<24x8x2048xf32>,
    } else {
    }
    %eq3A_6 = arith.constant 24 : i32
    %eq3A_7 = arith.cmpi eq, %arg0, %eq3A_6 : i32
    %convert_element_type3A_8 = arith.extui %eq3A_7 : i1 to i32
    %cond3A_9 = arith.constant 0 : i32
    %cond3A_10 = arith.cmpi ne, %convert_element_type3A_8, %cond3A_9 : i32
    scf.if %cond3A_10 {
      %get3A = arith.constant 0 : index
      %get3A_11 = arith.constant 0 : index
      %get3A_12 = vector.load %arg3[%get3A, %get3A_11] : memref<1x2048xf32, #tpu.memory_space<vmem>>, vector<1x2048xf32>
      %broadcast_in_dim3A = vector.shape_cast %get3A_12 : vector<1x2048xf32> to vector<1x1x2048xf32>
      %broadcast_in_dim3A_13 = vector.shape_cast %broadcast_in_dim3A : vector<1x1x2048xf32> to vector<1x1x2048xf32>
      %broadcast_in_dim3A_14 = vector.broadcast %broadcast_in_dim3A_13 : vector<1x1x2048xf32> to vector<24x8x2048xf32>
      %swap3A = arith.constant 0 : index
      %swap3A_15 = arith.constant 0 : index
      %swap3A_16 = arith.constant 0 : index
      %swap3A_17 = vector.load %arg4[%swap3A, %swap3A_15, %swap3A_16] : memref<24x8x2048xf32, #tpu.memory_space<vmem>>, vector<24x8x2048xf32>
      tpu.vector_store %arg4[%swap3A, %swap3A_15, %swap3A_16], %broadcast_in_dim3A_14 {strides = array<i32>} : memref<24x8x2048xf32, #tpu.memory_space<vmem>>, vector<24x8x2048xf32>,
    } else {
    }
    return
  }
  func.func @transform_0(%arg0: i32) -> (i32, i32, i32, i32) {
    %min3A = arith.constant 23 : i32
    %min3A_0 = arith.minsi %arg0, %min3A : i32
    %c0_i32 = arith.constant 0 : i32
    %c0_i32_1 = arith.constant 0 : i32
    %c0_i32_2 = arith.constant 0 : i32
    %c0_i32_3 = arith.constant 0 : i32
    return %c0_i32, %c0_i32_1, %min3A_0, %c0_i32_2 : i32, i32, i32, i32
  }
  func.func @transform_1(%arg0: i32) -> (i32, i32) {
    %c0_i32 = arith.constant 0 : i32
    %c0_i32_0 = arith.constant 0 : i32
    %c0_i32_1 = arith.constant 0 : i32
    return %c0_i32, %c0_i32_0 : i32, i32
  }
  func.func @transform_2(%arg0: i32) -> (i32, i32) {
    %c0_i32 = arith.constant 0 : i32
    %c0_i32_0 = arith.constant 0 : i32
    %c0_i32_1 = arith.constant 0 : i32
    return %c0_i32, %c0_i32_0 : i32, i32
  }
  func.func @transform_3(%arg0: i32) -> (i32, i32, i32) {
    %c0_i32 = arith.constant 0 : i32
    %c0_i32_0 = arith.constant 0 : i32
    %c0_i32_1 = arith.constant 0 : i32
    return %arg0, %c0_i32, %c0_i32_0 : i32, i32, i32
  }
}

</mosaic_0001>

<sc_bundles>
// kernel: kernel.4.cloned.1.call-start
scs
__scs_entry_jumppad:
0x0: {  	(pc) =	sbr.rel $0x88, $3  }
0x1: {  	(tag) =	ssettag $0x0;
	lr =	simm.s32 $0x1  }
0x2: {  	[smem:$0x3F9D] =	sst lr;
	_ =	strace $0xD0000000  }
0x3: {  	_ = 	snop  }
0x4: {  	_ = 	snop  }
0x5: {  	_ = 	snop  }
0x6: {  	_ = 	snop  }
0x7: {  	_ = 	snop  }
__scs_overlays_trampoline_lowered:
0x8: {  	[smem:$0x3FAC] =	sst s0  }
0x9: {  	[smem:$0x3FAD] =	sst s1  }
0xa: {  	[smem:$0x3FAE] =	sst s2  }
0xb: {  	[smem:$0x3FAF] =	sst s3  }
0xc: {  	[smem:$0x3FB0] =	sst s4  }
0xd: {  	[smem:$0x3FB1] =	sst s5  }
0xe: {  	[smem:$0x3FB2] =	sst s6  }
0xf: {  	[smem:$0x3FB3] =	sst s7  }
0x10: {  	[smem:$0x3FB4] =	sst s8  }
0x11: {  	[smem:$0x3FB5] =	sst s9;
	s0 =	simm.s32 @!p0 $0x0  }
0x12: {  	s1 =	sld [smem:$0x3F9B];
	s0 =	simm.s32 @p0 $0x1  }
0x13: {  	[smem:$0x3FB6] =	sst s0;
	s0 =	simm.s32 @!p1 $0x0  }
0x14: {  	s2 =	sld [smem:$0x3F9A];
	s0 =	simm.s32 @p1 $0x1  }
0x15: {  	[smem:$0x3FB7] =	sst s0;
	s0 =	simm.s32 @!p2 $0x0  }
0x16: {  	s3 =	sld [smem:$0x3FDB];
	s0 =	simm.s32 @p2 $0x1  }
0x17: {  	s4 =	simm.s32 $0x1BF5;
	[smem:$0x3FB9] =	sst s0  }
0x18: {  	s0 =	sld [smem:$0x3F9C];
	_ =	swait.ge [sflag:s4], $0x0  }
0x19: {  	s7 =	sld [smem:$0x3F9D]  }
0x1a: {  	s8 =	sadd.s32 $0xFFFFE003, lr  }
0x1b: {  	s9 =	sadd.s32 $0xFFFFFEF7, lr;
	s5 =	simm.s32 $0xFFFFFFFF;
	p2 =	slt.u32 s8, $0xFFFFF086  }
0x1c: {  	p1 =	slt.u32 s9, $0xF7A;
	s5 =	simm.s32 @!p2 $0x0  }
0x1d: {  	s5 =	simm.s32 @p1 $0x1;
	p0 =	seq.s32 s7, s2  }
0x1e: {  	s7 =	smul.u32 @!p0 $0xF7A, s2;
	p2 =	seq.s32 @!p0 s5, $0x0  }
0x1f: {  	s9 =	smul.u32 $0xF7A, s1;
	s8 =	simm.s32 @!p0 $0x1BF5;
	p2 =	por !p2, p0  }
0x20: {  	[sflag:s8] =	ssyncset.s32 @!p0 $0xFFFFF086;
	s6 =	sadd.s32 @!p0 s3, s7;
	s7 =	simm.s32 @!p0 $0x108  }
0x21: {  	s3 =	sadd.s32 s3, s9;
	s6 =	sadd.s32 @!p0 $0x88, s6;
	s7 =	simm.s32 @p2 $0x1082  }
0x22: {  	[simem:s7], [sflag:s8] =	dma.local @!p0 [hbm:s6], $0xF7A  }
0x23: {  	s9 =	sor.u32 $0xD0000000, s2;
	s6 =	simm.s32 $0x108;
	_ =	swait.ge @!p0 [sflag:s8], $0x0  }
0x24: {  	s3 =	sadd.s32 $0x88, s3;
	s6 =	simm.s32 @!p1 $0x1082;
	[sflag:s4] =	ssyncset.s32 $0xFFFFF086  }
0x25: {  	[simem:s6], [sflag:s4] =	dma.local [hbm:s3], $0xF7A  }
0x26: {  	[smem:$0x3F9D] =	sst s1;
	(tag) =	ssettag s2;
	_ =	strace s9  }
0x27: {  	s1 =	sld [smem:$0x3FAD]  }
0x28: {  	s2 =	sld [smem:$0x3FAE]  }
0x29: {  	s4 =	sld [smem:$0x3FB0]  }
0x2a: {  	p0 =	seq.s32 s5, $0x0;
	s5 =	sld [smem:$0x3FB1]  }
0x2b: {  	s6 =	sld [smem:$0x3FB2]  }
0x2c: {  	s7 =	sld [smem:$0x3FB3]  }
0x2d: {  	s3 =	simm.s32 $0x108;
	s8 =	sld [smem:$0x3FB4]  }
0x2e: {  	s3 =	simm.s32 @!p0 $0x1082;
	s9 =	sld [smem:$0x3FB5]  }
0x2f: {  	lr =	sadd.s32 s0, s3;
	s0 =	sld [smem:$0x3FAC]  }
0x30: {  	s3 =	sld [smem:$0x3FAF]  }
0x31: {  	[smem:$0x3FB8] =	sst s10  }
0x32: {  	s10 =	sld [smem:$0x3FB6];
	_ =	sdelay $0x3  }
0x33: {  	p0 =	seq.s32 s10, $0x1;
	s10 =	sld [smem:$0x3FB8];
	_ =	sdelay $0x3  }
0x34: {  	[smem:$0x3FB8] =	sst s10  }
0x35: {  	s10 =	sld [smem:$0x3FB7];
	_ =	sdelay $0x3  }
0x36: {  	p1 =	seq.s32 s10, $0x1;
	s10 =	sld [smem:$0x3FB8];
	_ =	sdelay $0x3  }
0x37: {  	[smem:$0x3FB8] =	sst s10  }
0x38: {  	s10 =	sld [smem:$0x3FB9]  }
0x39: {  	_ = 	snop;
	(pc) =	sbr.ind lr, $3  }
0x3a: {  	_ = 	snop  }
0x3b: {  	_ = 	snop  }
0x3c: {  	p2 =	seq.s32 s10, $0x1;
	s10 =	sld [smem:$0x3FB8]  }
0x3d: {  	_ =	shalt  }
0x3e: {  	_ =	shalt  }
0x3f: {  	_ =	shalt  }
0x40: {  	_ =	shalt  }
0x41: {  	_ =	shalt  }
0x42: {  	_ =	shalt  }
0x43: {  	_ =	shalt  }
0x44: {  	_ =	shalt  }
0x45: {  	_ =	shalt  }
0x46: {  	_ =	shalt  }
0x47: {  	_ =	shalt  }
0x48: {  	_ =	shalt  }
0x49: {  	_ =	shalt  }
0x4a: {  	_ =	shalt  }
0x4b: {  	_ =	shalt  }
0x4c: {  	_ =	shalt  }
0x4d: {  	_ =	shalt  }
0x4e: {  	_ =	shalt  }
0x4f: {  	_ =	shalt  }
0x50: {  	_ =	shalt  }
0x51: {  	_ =	shalt  }
0x52: {  	_ =	shalt  }
0x53: {  	_ =	shalt  }
0x54: {  	_ =	shalt  }
0x55: {  	_ =	shalt  }
0x56: {  	_ =	shalt  }
0x57: {  	_ =	shalt  }
0x58: {  	_ =	shalt  }
0x59: {  	_ =	shalt  }
0x5a: {  	_ =	shalt  }
0x5b: {  	_ =	shalt  }
0x5c: {  	_ =	shalt  }
0x5d: {  	_ =	shalt  }
0x5e: {  	_ =	shalt  }
0x5f: {  	_ =	shalt  }
0x60: {  	_ =	shalt  }
0x61: {  	_ =	shalt  }
0x62: {  	_ =	shalt  }
0x63: {  	_ =	shalt  }
0x64: {  	_ =	shalt  }
0x65: {  	_ =	shalt  }
0x66: {  	_ =	shalt  }
0x67: {  	_ =	shalt  }
0x68: {  	_ =	shalt  }
0x69: {  	_ =	shalt  }
0x6a: {  	_ =	shalt  }
0x6b: {  	_ =	shalt  }
0x6c: {  	_ =	shalt  }
0x6d: {  	_ =	shalt  }
0x6e: {  	_ =	shalt  }
0x6f: {  	_ =	shalt  }
0x70: {  	_ =	shalt  }
0x71: {  	_ =	shalt  }
0x72: {  	_ =	shalt  }
0x73: {  	_ =	shalt  }
0x74: {  	_ =	shalt  }
0x75: {  	_ =	shalt  }
0x76: {  	_ =	shalt  }
0x77: {  	_ =	shalt  }
0x78: {  	_ =	shalt  }
0x79: {  	_ =	shalt  }
0x7a: {  	_ =	shalt  }
0x7b: {  	_ =	shalt  }
0x7c: {  	_ =	shalt  }
0x7d: {  	_ =	shalt  }
0x7e: {  	_ =	shalt  }
0x7f: {  	_ =	shalt  }
0x80: {  	_ =	shalt  }
0x81: {  	_ =	shalt  }
0x82: {  	_ =	shalt  }
0x83: {  	_ =	shalt  }
0x84: {  	_ =	shalt  }
0x85: {  	_ =	shalt  }
0x86: {  	_ =	shalt  }
0x87: {  	_ =	shalt  }
.Lfunc_end0:
.L_simem_size_0:
called_computation_lowered:
.L_overlay_start_0:
0x88: {  	s2 =	sld [smem:$0x3FD9]  }
0x89: {  	s3 =	sld [smem:$0x3FFE];
	_ =	sdelay $0x1  }
0x8a: {  	s1 =	srdreg.scid  }
0x8b: {  	s0 =	sand.u32 $0x1, s1  }
0x8c: {  	s18 =	sshll.u32 s0, $0xA;
	s2 =	sadd.s32 s3, s2  }
0x8d: {  	s2 =	sadd.s32 s2, s18  }
0x8e: {  	[smem:$0x3FC4] =	sst s2  }
0x8f: {  	_ = 	snop  }
0x90: {  	s2 =	sld [smem:$0x3FC7]  }
0x91: {  	s19 =	sld [smem:$0x3FC6]  }
0x92: {  	s4 =	sld [smem:$0x3FD0];
	(tm) =	ssettm $0x1  }
0x93: {  	s5 =	sld [smem:$0x3FFB];
	_ =	sdelay $0x3  }
0x94: {  	_ =	strace s5  }
0x95: {  	s5 =	sld [smem:$0x3FFC];
	_ =	sdelay $0x3  }
0x96: {  	_ =	strace s5  }
0x97: {  	s5 =	sld [smem:$0x3FFD];
	_ =	sdelay $0x3  }
0x98: {  	_ =	strace s5  }
0x99: {  	_ =	strace $0x8FFFFFFF  }
0x9a: {  	s20 =	sld [smem:$0x3FDB];
	_ =	sdelay $0x1  }
0x9b: {  	s6 =	simm.s32 $_scs_section_size  }
0x9c: {  	s7 =	simm.s32 $_size__tile_overlayer_lowered;
	s8 =	simm.s32 $_tile_overlayer_lowered  }
0x9d: {  	s23 =	simm.s32 $0x1BFF;
	s22 =	sshll.u32 s8, $0x1;
	s5 =	sadd.s32 s6, s20  }
0x9e: {  	s9 =	simm.s32 $0x0;
	s21 =	sshll.u32 s7, $0x1;
	s7 =	sadd.s32 s22, s5  }
0x9f: {  	[timem:s9], [sflag:s23] =	dma.local [hbm:s7], s21  }
0xa0: {  	_ =	swait.ge [sflag:s23], s21  }
0xa1: {  	s6 =	ssub.s32 $0x0, s21;
	[sflag:s23] =	ssyncset.done $0x0  }
0xa2: {  	[sflag:s23] =	ssyncadd.s32 s6;
	_ =	sdelay $0x1  }
0xa3: {  	s24 =	simm.s32 $0x1B8B  }
0xa4: {  	_ =	swait.ge [sflag:s24], $0x1  }
0xa5: {  	[sflag:s24] =	ssyncset.done $0x0  }
0xa6: {  	s25 =	simm.s32 $0x1B8E;
	[sflag:s24] =	ssyncadd.s32 $0xFFFFFFFF  }
0xa7: {  	s26 =	simm.s32 $execute0_lowered;
	[smem:$0x3FD2] =	sst s25  }
0xa8: {  	s6 =	sshll.u32 s26, $0x1;
	_ =	strace $0x80000046;
	[dreg:$0x1] =	wrdreg $0xFFFFFFFF  }
0xa9: {  	s28 =	simm.s32 $_size_execute0_lowered;
	s5 =	sadd.s32 s5, s6;
	[dreg:$0x0] =	wrdreg $0x0  }
0xaa: {  	s6 =	sshll.u32 s28, $0x1;
	[dreg:$0x2] =	wrdreg s5  }
0xab: {  	[dreg:$0x3] =	wrdreg s6  }
0xac: {  	[dreg:$0x4] =	wrdreg $0xC0  }
0xad: {  	_ =	task [dreg:s9], $0x5FFFF  }
0xae: {  	[dreg:$0x1] =	wrdreg $0xFFFFFFFF  }
0xaf: {  	[dreg:$0x0] =	wrdreg $0x60  }
0xb0: {  	[dreg:$0x2] =	wrdreg s2  }
0xb1: {  	[dreg:$0x3] =	wrdreg s19  }
0xb2: {  	[dreg:$0x4] =	wrdreg s4  }
0xb3: {  	[dreg:$0x5] =	wrdreg $0x9  }
0xb4: {  	_ =	task.clear_ibuf [dreg:s9], $0x6FFFF;
	_ =	strace $0x90000046  }
0xb5: {  	s29 =	simm.s32 $0x9;
	_ =	strace $0x80000048  }
0xb6: {  	_ =	swait.ge [sflag:s29], $0x1  }
0xb7: {  	[sflag:s29] =	ssyncadd.s32 $0xFFFFFFFF  }
0xb8: {  	_ =	strace $0x90000048  }
0xb9: {  	_ =	sfence  }
0xba: {  	s30 =	sld [smem:$0x0];
	_ =	sdelay $0x2  }
0xbb: {  	s31 =	sshll.u32 s1, $0xD;
	s1 =	sshrl.u32 s1, $0x2  }
0xbc: {  	s3 =	sand.u32 $0x4000, s31;
	s1 =	sadd.s32 s1, s30  }
0xbd: {  	s0 =	sor.u32 s3, s0;
	s1 =	sshll.u32 s1, $0x11  }
0xbe: {  	s0 =	sor.u32 s1, s0  }
0xbf: {  	s0 =	sadd.s32 $0x8F2B, s0  }
0xc0: {  	[sflag:s0] =	ssyncadd.remote.s32 $0x1  }
0xc1: {  	_ =	sfence.sel $0xFFFF  }
0xc2: {  	[dreg:$0x0] =	wrdreg $0xFFFFFFFF;
	(pc) =	sbr.abs _section_cstart, $3  }
0xc3: {  	[dreg:$0x1] =	wrdreg $0xFFFFFFFF  }
0xc4: {  	_ =	task.clear_ibuf [dreg:s9], $0x2FFFF;
	_ =	strace $0x9FFFFFFF  }
0xc5: {  	(tm) =	ssettm $0x7FFFFFFF  }
tec
execute0_lowered:
.L_overlay_start_1:
0x0: {  	(tag) =	ssettag $0x1  }
0x1: {  	s0 =	srdreg.scid  }
0x2: {  	s7 =	sand.u32 $0x1, s0;
	s0 =	stileid.u32  }
0x3: {  	s5 =	sshll.u32 s0, $0x1;
	s6 =	ssub.s32 $0x0, s7  }
0x4: {  	p0 =	sne.s32 s5, s6  }
.Ltmp0:
0x5: {  	_ = 	snop;
	(pc) =	sbr.rel @p0 .LBB2_4-.Ltmp0, $4  }
0x6: {  	s2 =	rddreg [dreg:$0x0]  }
0x7: {  	s3 =	rddreg [dreg:$0x1]  }
0x8: {  	s4 =	rddreg [dreg:$0x2]  }
0x9: {  	s1 =	rddreg [dreg:$0x3];
	_ =	strace $0x80000047  }
0xa: {  	s6 =	simm.s32 $0x0;
	s5 =	simm.s32 $0x2  }
0xb: {  	[tilespmem:s6], [sflag:$0x2] =	stream.linear.gather [hbm4b:s3+s6], $0x80, $0x38;
	[tilespmem:$0x880] =	vst v63  }
0xc: {  	_ =	swait.ge [sflag:s5], $0x80  }
0xd: {  	[sflag:s5] =	ssyncset.done $0x0  }
0xe: {  	[sflag:s5] =	ssyncadd.s32 $0xFFFFFF80  }
0xf: {  	v0 =	vld.msk [tilespmem:$0x0], $0x1;
	_ =	sdelay $0x4  }
0x10: {  	v1 =	vshll.u32 v0, $0x4  }
0x11: {  	v2 =	vand.u32 $0x7, v0;
	v1 =	vand.u32 $0xFFFFFF80, v1  }
0x12: {  	v3 =	vlaneseq.u32;
	v0 =	vimm.s32 $0x0;
	v2 =	vor.u32 v2, v1  }
0x13: {  	v1 =	vmul.u32 $0x8, v3;
	v2 =	vperm.xlane v2, v0;
	_ =	sdelay $0x1  }
0x14: {  	v2 =	vadd.s32 v1, v2  }
0x15: {  	s9 =	ssub.s32 $0x2, s7  }
0x16: {  	s10 =	sshrl.u32 s9, $0x1  }
0x17: {  	s9 =	ssub.s32 s9, s10  }
0x18: {  	vm0 =	vmmov $0xffff;
	s7 =	simm.s32 $0x80;
	s8 =	simm.s32 $0x1;
	s9 =	smax.u32 s9, $0x1  }
0x19: {  	[tilespmem:s7], [sflag:$0x1] =	stream.indirect_vreg.gather [hbm4b:s2+s6], $0x80, v2, vm0, $0xb8;
	[tilespmem:$0x880] =	vst v63  }
0x1a: {  	p0 =	sne.s32 s9, $0x1;
	_ =	swait.ge [sflag:s8], $0x800  }
.Ltmp1:
0x1b: {  	[sflag:s8] =	ssyncset.done $0x0;
	(pc) =	sbr.rel @!p0 .LBB2_3-.Ltmp1, $4  }
0x1c: {  	[sflag:s8] =	ssyncadd.s32 $0xFFFFF800  }
0x1d: {  	[hbm4b:s4+s6] =	stream.linear.scatter [tilespmem:s7], [sflag:$0x2], $0x800, $0x38;
	[tilespmem:$0x880] =	vst v63  }
0x1e: {  	_ =	swait.ge [sflag:s5], $0x800  }
0x1f: {  	s9 =	sadd.s32 $0xFFFFFFFF, s9;
	[sflag:s5] =	ssyncset.done $0x0  }
.LBB2_2:
0x20: {  	p0 =	sne.s32 s9, $0x1;
	s9 =	sadd.s32 $0xFFFFFFFF, s9;
	[sflag:s5] =	ssyncadd.s32 $0xFFFFF800  }
0x21: {  	[tilespmem:s6], [sflag:$0x2] =	stream.linear.gather [hbm4b:s3+s6], $0x80, $0x38;
	[tilespmem:$0x880] =	vst v63  }
0x22: {  	_ =	swait.ge [sflag:s5], $0x80  }
0x23: {  	[sflag:s5] =	ssyncset.done $0x0  }
0x24: {  	[sflag:s5] =	ssyncadd.s32 $0xFFFFFF80  }
0x25: {  	v2 =	vld.msk [tilespmem:$0x0], $0x1;
	_ =	sdelay $0x4  }
0x26: {  	v3 =	vshll.u32 v2, $0x4  }
0x27: {  	v2 =	vand.u32 $0x7, v2;
	v3 =	vand.u32 $0xFFFFFF80, v3  }
0x28: {  	v2 =	vor.u32 v2, v3  }
0x29: {  	v2 =	vperm.xlane v2, v0;
	_ =	sdelay $0x1  }
0x2a: {  	v2 =	vadd.s32 v1, v2;
	_ =	sdelay $0x4  }
0x2b: {  	[tilespmem:s7], [sflag:$0x1] =	stream.indirect_vreg.gather [hbm4b:s2+s6], $0x80, v2, vm0, $0xb8;
	[tilespmem:$0x880] =	vst v63  }
0x2c: {  	_ =	swait.ge [sflag:s8], $0x800  }
.Ltmp2:
0x2d: {  	[sflag:s8] =	ssyncset.done $0x0;
	(pc) =	sbr.rel @p0 .LBB2_2-.Ltmp2, $4  }
0x2e: {  	[sflag:s8] =	ssyncadd.s32 $0xFFFFF800  }
0x2f: {  	[hbm4b:s4+s6] =	stream.linear.scatter [tilespmem:s7], [sflag:$0x2], $0x800, $0x38;
	[tilespmem:$0x880] =	vst v63  }
0x30: {  	_ =	swait.ge [sflag:s5], $0x800  }
0x31: {  	[sflag:s5] =	ssyncset.done $0x0  }
.LBB2_3:
0x32: {  	[sflag:s5] =	ssyncadd.s32 $0xFFFFF800  }
.LBB2_4:
0x33: {  	_ =	sfence.sel $0x180000  }
0x34: {  	[bflag:$0x0] =	sbarrier.arrive $0xFFFF  }
0x35: {  	p0 =	sne.s32 s0, $0x0;
	_ =	strace $0x90000047  }
0x36: {  	s0 =	sadd.s32 @!p0 $0x100000, s1;
	[bflag:$0x2] =	sbarrier.arrive $0xFFFF  }
0x37: {  	[sflag:s0] =	ssyncadd.tile.s32 @!p0 $0x1;
	_ =	shalt  }
.Lfunc_end2:
_tile_overlayer_lowered:
.L_overlay_start_2:
0x38: {  	(tag) =	ssettag $0x2  }
0x39: {  	s0 =	rddreg [dreg:$0x0];
	s2 =	stileid.u32  }
0x3a: {  	s1 =	rddreg [dreg:$0x1];
	p0 =	sne.s32 s2, $0x0  }
0x3b: {  	s3 =	rddreg [dreg:$0x2];
	[bflag:$0x3] =	sbarrier.arrive $0xFFFF;
	s2 =	simm.s32 @!p0 $0x1C02  }
0x3c: {  	[timem:s3], [sflag:s2] =	dma.local @!p0 [hbm:s0], s1  }
0x3d: {  	s0 =	simm.s32 @!p0 $0x2  }
0x3e: {  	_ =	swait.ge @!p0 [sflag:s0], s1  }
0x3f: {  	s1 =	ssub.s32 @!p0 $0x0, s1;
	[sflag:s0] =	ssyncset.done @!p0 $0x0  }
0x40: {  	[sflag:s0] =	ssyncadd.s32 @!p0 s1  }
0x41: {  	[bflag:$0x3] =	sbarrier.arrive $0xFFFF  }
0x42: {  	_ =	shalt  }

</sc_bundles>
